<compile_context>
chip_gen: v7x
topology: tpu7x:2x2x1
jax: 0.10.2.dev20260603
libtpu: 0.0.44.dev20260713+nightly
codegen_flags: <defaults>
</compile_context>

<pallas_src>
import math

import jax
import jax.numpy as jnp
from jax.experimental import pallas as pl

B, T, D, H, K, DFF = 1, 2048, 1024, 8, 32, 4096
DH = D // H


def _ln(x, g, b, eps=1e-5):
    mu = x.mean(-1, keepdims=True)
    var = ((x - mu) ** 2).mean(-1, keepdims=True)
    return (x - mu) / jnp.sqrt(var + eps) * g + b


def _add_kernel(a_ref, b_ref, o_ref):
    o_ref[...] = a_ref[...] + b_ref[...]


def kernel(x, attention_mask, ln1_g, ln1_b, Wqkv, bqkv, Wout, bout, ln2_g, ln2_b, W1, b1, W2, b2):
    h = _ln(x, ln1_g, ln1_b)
    qkv = h @ Wqkv + bqkv
    q, k, v = jnp.split(qkv, 3, axis=-1)

    def split(t):
        return t.reshape(B, T, H, DH).transpose(0, 2, 1, 3)

    Q, Kt, Vt = split(q), split(k), split(v)
    scores = jnp.einsum('bhtd,bhsd->bhts', Q, Kt) / math.sqrt(DH)
    key_mask = (attention_mask == 0).reshape(B, 1, 1, T)
    scores = jnp.where(key_mask, -jnp.inf, scores)
    vals, idx = jax.lax.top_k(scores, K)
    attn = jax.nn.softmax(vals, axis=-1)
    bI = jnp.arange(B)[:, None, None, None]
    hI = jnp.arange(H)[None, :, None, None]
    Vsel = Vt[bI, hI, idx]
    out = jnp.einsum('bhtk,bhtkd->bhtd', attn, Vsel)
    out = out.transpose(0, 2, 1, 3).reshape(B, T, D)
    aout = out @ Wout + bout
    x = x + aout
    h2 = _ln(x, ln2_g, ln2_b)
    f = jax.nn.gelu(h2 @ W1 + b1, approximate=False) @ W2 + b2
    return pl.pallas_call(
        _add_kernel,
        out_shape=jax.ShapeDtypeStruct(x.shape, x.dtype),
    )(x, f)

# --- scband reference (transcript-rebuilt; emitter-appended) ---
"""Pipeline reference for scband-transformer-summarizer-8443905704420 (READ-ONLY COPY).

The authoritative reference and input builder live on the scoring server;
editing this copy changes nothing except your own understanding.
"""

import jax, jax.numpy as jnp
import numpy as np
import math

B, T, D, H, K, DFF = 1, 2048, 1024, 8, 32, 4096
DH = D // H

def setup_inputs(seed: int = 0) -> dict:
    key = jax.random.key(seed)
    ks = [jax.random.fold_in(key, i) for i in range(8)]
    s = 0.02
    x = jax.random.normal(ks[0], (B, T, D), dtype=jnp.float32)
    attention_mask = jnp.ones((B, T), dtype=jnp.int32)
    return {
        'x': x,
        'attention_mask': attention_mask,
        'ln1_g': jnp.ones((D,), jnp.float32), 'ln1_b': jnp.zeros((D,), jnp.float32),
        'Wqkv': (jax.random.normal(ks[1], (D, 3 * D)) * s).astype(jnp.float32),
        'bqkv': jnp.zeros((3 * D,), jnp.float32),
        'Wout': (jax.random.normal(ks[2], (D, D)) * s).astype(jnp.float32),
        'bout': jnp.zeros((D,), jnp.float32),
        'ln2_g': jnp.ones((D,), jnp.float32), 'ln2_b': jnp.zeros((D,), jnp.float32),
        'W1': (jax.random.normal(ks[3], (D, DFF)) * s).astype(jnp.float32),
        'b1': jnp.zeros((DFF,), jnp.float32),
        'W2': (jax.random.normal(ks[4], (DFF, D)) * s).astype(jnp.float32),
        'b2': jnp.zeros((D,), jnp.float32),
    }

def _ln(x, g, b, eps=1e-5):
    mu = x.mean(-1, keepdims=True)
    var = ((x - mu) ** 2).mean(-1, keepdims=True)
    return (x - mu) / jnp.sqrt(var + eps) * g + b

def _sparse_topk_attn(h, attention_mask, Wqkv, bqkv, Wout, bout):
    Bq, Tq, Dq = h.shape
    qkv = h @ Wqkv + bqkv
    q, k, v = jnp.split(qkv, 3, axis=-1)
    def split(t):
        return t.reshape(Bq, Tq, H, DH).transpose(0, 2, 1, 3)
    Q, Kt, Vt = split(q), split(k), split(v)
    scores = jnp.einsum('bhtd,bhsd->bhts', Q, Kt) / math.sqrt(DH)
    key_mask = (attention_mask == 0).reshape(Bq, 1, 1, Tq)
    scores = jnp.where(key_mask, -jnp.inf, scores)
    ksel = min(K, Tq)
    _, idx = jax.lax.top_k(scores, ksel)  # (B,H,T,ksel)
    bI = jnp.arange(Bq)[:, None, None, None]
    hI = jnp.arange(H)[None, :, None, None]
    Ksel = Kt[bI, hI, idx]  # (B,H,T,ksel,DH)
    Vsel = Vt[bI, hI, idx]
    logits = jnp.einsum('bhtd,bhtkd->bhtk', Q, Ksel) / math.sqrt(DH)
    attn = jax.nn.softmax(logits, axis=-1)
    out = jnp.einsum('bhtk,bhtkd->bhtd', attn, Vsel)
    out = out.transpose(0, 2, 1, 3).reshape(Bq, Tq, Dq)
    return out @ Wout + bout

def reference(x, attention_mask, ln1_g, ln1_b, Wqkv, bqkv, Wout, bout, ln2_g, ln2_b, W1, b1, W2, b2):
    h = _ln(x, ln1_g, ln1_b)
    aout = _sparse_topk_attn(h, attention_mask, Wqkv, bqkv, Wout, bout)
    x = x + aout  # dropout p=0.0 (eval)
    h2 = _ln(x, ln2_g, ln2_b)
    f = jax.nn.gelu(h2 @ W1 + b1, approximate=False) @ W2 + b2
    x = x + f
    return x

if __name__ == "__main__":
    import jax
    _d = setup_inputs()
    print(jax.jit(kernel)(*tuple(_d.values())))

</pallas_src>

<mosaic_0001>
module attributes {stable_mosaic.version = 14 : i64} {
  func.func @_add_kernel(%arg0: memref<1x2048x1024xf32, #tpu.memory_space<vmem>>, %arg1: memref<1x2048x1024xf32, #tpu.memory_space<vmem>>, %arg2: memref<1x2048x1024xf32, #tpu.memory_space<vmem>>) attributes {dimension_semantics = [], scalar_prefetch = 0 : i64, scratch_operands = 0 : i64, tpu.core_type = #tpu.core_type<tc>} {
    %get3A = arith.constant 0 : index
    %get3A_0 = arith.constant 0 : index
    %get3A_1 = arith.constant 0 : index
    %get3A_2 = vector.load %arg0[%get3A, %get3A_0, %get3A_1] : memref<1x2048x1024xf32, #tpu.memory_space<vmem>>, vector<1x2048x1024xf32>
    %get3A_3 = arith.constant 0 : index
    %get3A_4 = arith.constant 0 : index
    %get3A_5 = arith.constant 0 : index
    %get3A_6 = vector.load %arg1[%get3A_3, %get3A_4, %get3A_5] : memref<1x2048x1024xf32, #tpu.memory_space<vmem>>, vector<1x2048x1024xf32>
    %add3A = arith.addf %get3A_2, %get3A_6 : vector<1x2048x1024xf32>
    %swap3A = arith.constant 0 : index
    %swap3A_7 = arith.constant 0 : index
    %swap3A_8 = arith.constant 0 : index
    %swap3A_9 = vector.load %arg2[%swap3A, %swap3A_7, %swap3A_8] : memref<1x2048x1024xf32, #tpu.memory_space<vmem>>, vector<1x2048x1024xf32>
    tpu.vector_store %arg2[%swap3A, %swap3A_7, %swap3A_8], %add3A {strides = array<i32>} : memref<1x2048x1024xf32, #tpu.memory_space<vmem>>, vector<1x2048x1024xf32>,
    return
  }
}

</mosaic_0001>

<sc_bundles>
// kernel: sparse-core-data-format-call.cloned.1.call-start
scs
called_computation_lowered:
.L_overlay_start_0:
0x0: {  	s1 =	sld [smem:$0x3FD9]  }
0x1: {  	s2 =	sld [smem:$0x3FFE];
	_ =	sdelay $0x1  }
0x2: {  	s3 =	srdreg.scid  }
0x3: {  	s0 =	sand.u32 $0x1, s3  }
0x4: {  	s17 =	sshll.u32 s0, $0xA;
	s1 =	sadd.s32 s2, s1  }
0x5: {  	s1 =	sadd.s32 s1, s17  }
0x6: {  	[smem:$0x3FBA] =	sst s1  }
0x7: {  	_ = 	snop  }
0x8: {  	(tm) =	ssettm $0x1  }
0x9: {  	s18 =	sld [smem:$0x3FFB];
	_ =	sdelay $0x3  }
0xa: {  	_ =	strace s18  }
0xb: {  	s1 =	sld [smem:$0x3FFC];
	_ =	sdelay $0x3  }
0xc: {  	_ =	strace s1  }
0xd: {  	s1 =	sld [smem:$0x3FFD];
	_ =	sdelay $0x3  }
0xe: {  	_ =	strace s1  }
0xf: {  	_ =	strace $0x8FFFFFFF  }
0x10: {  	s19 =	sld [smem:$0x3FDB];
	_ =	sdelay $0x1  }
0x11: {  	s20 =	simm.s32 $_scs_section_size  }
0x12: {  	s4 =	simm.s32 $_size__tile_overlayer_lowered;
	s5 =	simm.s32 $_tile_overlayer_lowered  }
0x13: {  	s23 =	simm.s32 $0x1BFF;
	s22 =	sshll.u32 s5, $0x1;
	s1 =	sadd.s32 s20, s19  }
0x14: {  	s6 =	simm.s32 $0x0;
	s21 =	sshll.u32 s4, $0x1;
	s4 =	sadd.s32 s22, s1  }
0x15: {  	[timem:s6], [sflag:s23] =	dma.local [hbm:s4], s21  }
0x16: {  	_ =	swait.ge [sflag:s23], s21  }
0x17: {  	s2 =	ssub.s32 $0x0, s21;
	[sflag:s23] =	ssyncset.done $0x0  }
0x18: {  	[sflag:s23] =	ssyncadd.s32 s2;
	_ =	sdelay $0x1  }
0x19: {  	s24 =	simm.s32 $0x1B8B  }
0x1a: {  	_ =	swait.ge [sflag:s24], $0x1  }
0x1b: {  	[sflag:s24] =	ssyncset.done $0x0  }
0x1c: {  	s26 =	simm.s32 $0x1B8E;
	s25 =	sld [smem:$0x3FFE];
	[sflag:s24] =	ssyncadd.s32 $0xFFFFFFFF  }
0x1d: {  	s27 =	simm.s32 $execute0_lowered;
	[smem:$0x3FD2] =	sst s26  }
0x1e: {  	s4 =	sshll.u32 s27, $0x1;
	_ =	strace $0x80000046;
	[dreg:$0x1] =	wrdreg $0xFFFFFFFF  }
0x1f: {  	s28 =	simm.s32 $_size_execute0_lowered;
	s1 =	sadd.s32 s1, s4;
	[dreg:$0x0] =	wrdreg $0x0  }
0x20: {  	s4 =	sshll.u32 s28, $0x1;
	[dreg:$0x2] =	wrdreg s1  }
0x21: {  	[dreg:$0x3] =	wrdreg s4  }
0x22: {  	[dreg:$0x4] =	wrdreg $0xC0  }
0x23: {  	_ =	task [dreg:s6], $0x5FFFF  }
0x24: {  	[dreg:$0x1] =	wrdreg $0xFFFFFFFF  }
0x25: {  	[dreg:$0x0] =	wrdreg $0x60  }
0x26: {  	[dreg:$0x2] =	wrdreg s25  }
0x27: {  	[dreg:$0x3] =	wrdreg $0x9  }
0x28: {  	_ =	task.clear_ibuf [dreg:s6], $0x4FFFF;
	_ =	strace $0x90000046  }
0x29: {  	s29 =	simm.s32 $0x9;
	_ =	strace $0x80000048  }
0x2a: {  	_ =	swait.ge [sflag:s29], $0x1  }
0x2b: {  	[sflag:s29] =	ssyncadd.s32 $0xFFFFFFFF  }
0x2c: {  	_ =	strace $0x90000048  }
0x2d: {  	_ =	sfence  }
0x2e: {  	s30 =	sld [smem:$0x0];
	_ =	sdelay $0x2  }
0x2f: {  	s31 =	sshll.u32 s3, $0xD;
	s3 =	sshrl.u32 s3, $0x2  }
0x30: {  	s2 =	sand.u32 $0x4000, s31;
	s1 =	sadd.s32 s3, s30  }
0x31: {  	s0 =	sor.u32 s2, s0;
	s1 =	sshll.u32 s1, $0x11  }
0x32: {  	s0 =	sor.u32 s1, s0  }
0x33: {  	s0 =	sadd.s32 $0x8F2B, s0  }
0x34: {  	[sflag:s0] =	ssyncadd.remote.s32 $0x1  }
0x35: {  	_ =	sfence.sel $0xFFFF  }
0x36: {  	[dreg:$0x0] =	wrdreg $0xFFFFFFFF;
	(pc) =	sbr.abs _section_cstart, $3  }
0x37: {  	[dreg:$0x1] =	wrdreg $0xFFFFFFFF  }
0x38: {  	_ =	task.clear_ibuf [dreg:s6], $0x2FFFF;
	_ =	strace $0x9FFFFFFF  }
0x39: {  	(tm) =	ssettm $0x7FFFFFFF  }
tec
execute0_lowered:
.L_overlay_start_1:
0x0: {  	(tag) =	ssettag $0x1  }
0x1: {  	s0 =	stileid.u32  }
0x2: {  	s1 =	srdreg.scid;
	s3 =	rddreg [dreg:$0x0];
	s7 =	simm.s32 $0x1  }
0x3: {  	s6 =	simm.s32 $0x1;
	s2 =	sshll.u32 s0, $0x4;
	s1 =	sshll.u32 s1, $0x8  }
0x4: {  	s31 =	simm.s32 $0x2;
	s16 =	simm.s32 $0x0;
	s1 =	sor.u32 s2, s1  }
0x5: {  	s9 =	simm.s32 $0x4000;
	s14 =	simm.s32 $0x0;
	s2 =	sand.u32 $0x180, s1  }
0x6: {  	s15 =	simm.s32 $0x0;
	s10 =	simm.s32 $0x0;
	s5 =	ssub.s32 $0x800, s2  }
0x7: {  	s13 =	simm.s32 $0x0;
	s1 =	rddreg [dreg:$0x1];
	s4 =	sand.u32 $0x180, s5  }
.Ltmp0:
0x8: {  	_ =	strace $0x80000047;
	p0 =	sne.s32 s4, $0x0;
	(pc) =	sbr.rel .LBB1_1-.Ltmp0, $4  }
0x9: {  	[sflag:s6] =	ssyncpa.u1 $0x0;
	s8 =	sshrl.u32 s5, $0x9;
	s7 =	simm.s32 @!p0 $0x0  }
0xa: {  	s11 =	smov.u32 s2;
	s5 =	sand.u32 $0x7, s0;
	s7 =	sadd.s32 s7, s8  }
0xb: {  	[sflag:s31] =	ssyncpa.u1 $0x0;
	s4 =	sadd.s32 $0x400000, s3;
	s7 =	sshll.u32 s7, $0x4  }
0xc: {  	s12 =	smov.u32 s5;
	p0 =	por $0x0, $0x0;
	s8 =	sor.u32 $0x1, s7  }
.LBB1_4:
0xd: {  	v5 =	vld [tilespmem:s19+$0xFFFFFFD0]  }
0xe: {  	[tilespmem:s20+$0x2040 ss:$0x81] =	vst.msk $0xffff, v1;
	v58 =	vld [tilespmem:s19+$0xFFFFFFE0]  }
0xf: {  	[tilespmem:s20+$0x2850 ss:$0x81] =	vst.msk $0xffff, v2;
	v59 =	vld [tilespmem:s19+$0xFFFFFFF0]  }
0x10: {  	s21 =	sshra.s32 s21, $0x2;
	[tilespmem:s20+$0x3060 ss:$0x81] =	vst.msk $0xffff, v3;
	v60 =	vld [tilespmem:s19+$0x0]  }
0x11: {  	[tilespmem:s20+$0x0 ss:$0x81] =	vst.msk $0xffff, v0;
	v61 =	vld [tilespmem:s19+$0x10];
	s18 =	sadd.s32 s21, s18  }
0x12: {  	s26 =	sshll.u32 s16, $0xB;
	v62 =	vld [tilespmem:s19+$0x20];
	[tilespmem:s18+$0x3870 ss:$0x81] =	vst.msk $0xffff, v4  }
0x13: {  	s27 =	sand.u32 $0x78, s14;
	s22 =	sshll.u32 s14, $0x3;
	v63 =	vld [tilespmem:s19+$0xFFFFFFC0];
	s29 =	sshll.u32 s16, $0x7;
	[tilespmem:s18+$0x810 ss:$0x81] =	vst.msk $0xffff, v5  }
0x14: {  	s15 =	sshll.u32 s15, $0x13;
	s20 =	sand.u32 $0x3FC000, s26;
	s28 =	sand.u32 $0x3FFC00, s22;
	[tilespmem:s18+$0x1020 ss:$0x81] =	vst.msk $0xffff, v58  }
0x15: {  	s31 =	sand.u32 $0x7, s14;
	s22 =	sand.u32 $0x400, s22;
	s19 =	sadd.s32 s28, s20;
	[tilespmem:s18+$0x1830 ss:$0x81] =	vst.msk $0xffff, v59  }
0x16: {  	s16 =	sand.u32 $0x380, s29;
	s30 =	sor.u32 s27, s22;
	s19 =	sshrl.u32 s19, $0x3;
	[tilespmem:s18+$0x2040 ss:$0x81] =	vst.msk $0xffff, v60  }
0x17: {  	s15 =	sadd.s32 s4, s15;
	s16 =	sor.u32 s16, s30;
	s19 =	sand.u32 $0x7FF00, s19;
	[tilespmem:s18+$0x2850 ss:$0x81] =	vst.msk $0xffff, v61  }
0x18: {  	s14 =	sshll.u32 s31, $0x12;
	s16 =	sshrl.u32 s16, $0x3;
	[tilespmem:s18+$0x3060 ss:$0x81] =	vst.msk $0xffff, v62;
	s15 =	sadd.s32 s19, s15  }
0x19: {  	s14 =	sor.u32 $0x400, s14;
	[tilespmem:s18+$0x0 ss:$0x81] =	vst.msk $0xffff, v63;
	s15 =	sadd.s32 s16, s15  }
0x1a: {  	[hbm4b:s15+s14] =	stream.strided.scatter [tilespmem:s17], [sflag:$0x2], $0x4000, s9, s14, $0x20;
	[tilespmem:$0x10100] =	vst v63  }
.LBB1_5:
0x1b: {  	s17 =	sadd.s32 $0x80, s10  }
0x1c: {  	s14 =	sadd.s32 $0x200, s11;
	s18 =	smov.u32 s11;
	p2 =	sgt.s32 s17, $0x7FF  }
0x1d: {  	s18 =	smov.u32 @p2 s14  }
0x1e: {  	s20 =	smov.u32 s12;
	s14 =	sadd.s32 $0x8, s12;
	p3 =	sgt.s32 s18, $0x7FF  }
0x1f: {  	s20 =	smov.u32 @p3 s14  }
0x20: {  	s17 =	simm.s32 @p2 $0x0;
	p2 =	sgt.s32 s20, $0x7  }
0x21: {  	p1 =	slt.u32 s13, $0x2;
	s20 =	smov.u32 @p2 s5;
	p2 =	sne.s32 s13, s8  }
.Ltmp1:
0x22: {  	s19 =	simm.s32 @!p1 $0x2;
	(pc) =	sbr.rel @!p2 .LBB1_6-.Ltmp1, $4  }
0x23: {  	s16 =	smov.u32 s10;
	s15 =	smov.u32 s12;
	_ =	swait.ge @!p1 [sflag:s19], $0x4000  }
0x24: {  	p0 =	por !p0, !p0;
	[sflag:s19] =	ssyncset.done @!p1 $0x0;
	s10 =	smov.u32 s17  }
0x25: {  	s18 =	smov.u32 @p3 s2;
	s14 =	smov.u32 s11;
	[sflag:s19] =	ssyncadd.s32 @!p1 $0xFFFFC000  }
0x26: {  	s11 =	smov.u32 s18;
	s13 =	sadd.s32 $0x1, s13;
	s12 =	smov.u32 s20  }
.LBB1_1:
0x27: {  	p1 =	sge.u32 s13, s7;
	s31 =	sadd.s32 $0xFFFFFFFF, s13  }
0x28: {  	s17 =	sxor.u32 @!p1 $0xFFFFFFFF, s13;
	s18 =	sand.u32 @!p1 $0x78, s10;
	s19 =	sshll.u32 @!p1 s11, $0xB  }
0x29: {  	s20 =	sshll.u32 @!p1 s11, $0x7;
	s21 =	sshll.u32 @!p1 s10, $0x3;
	s17 =	sshll.u32 @!p1 s17, $0xE  }
0x2a: {  	s19 =	sand.u32 @!p1 $0x3FC000, s19;
	s20 =	sand.u32 @!p1 $0x380, s20;
	s17 =	sand.u32 @!p1 $0x4000, s17  }
0x2b: {  	s19 =	sadd.s32 @!p1 s19, s21;
	s21 =	sand.u32 @!p1 $0x400, s21;
	s18 =	sor.u32 @!p1 s20, s18  }
0x2c: {  	s20 =	sshll.u32 @!p1 s12, $0x13;
	s18 =	sor.u32 @!p1 s21, s18;
	s19 =	sshrl.u32 @!p1 s19, $0x3  }
0x2d: {  	s20 =	sadd.s32 @!p1 s3, s20;
	s21 =	sand.u32 @!p1 $0x7, s10;
	s19 =	sand.u32 @!p1 $0x7FF00, s19  }
0x2e: {  	s18 =	sshrl.u32 @!p1 s18, $0x3;
	s19 =	sadd.s32 @!p1 s19, s20;
	s20 =	sshll.u32 @!p1 s21, $0x12  }
0x2f: {  	s18 =	sadd.s32 @!p1 s18, s19;
	s19 =	sor.u32 @!p1 $0x400, s20;
	s20 =	simm.s32 @!p1 $0x4000  }
0x30: {  	[tilespmem:s17], [sflag:$0x1] =	stream.strided.gather @!p1 [hbm4b:s18+s19], $0x4000, s20, s19, $0x38;
	[tilespmem:$0x10100] =	vst v63  }
0x31: {  	p1 =	sge.u32 s31, s7  }
.Ltmp2:
0x32: {  	_ = 	snop;
	(pc) =	sbr.rel @p1 .LBB1_5-.Ltmp2, $1  }
0x33: {  	_ =	sdelay $0x3  }
0x34: {  	s17 =	simm.s32 $0x1  }
0x35: {  	_ =	swait.ge [sflag:s6], $0x4000;
	s17 =	simm.s32 @!p0 $0x0  }
0x36: {  	[sflag:s6] =	ssyncset.done $0x0;
	s18 =	sshll.u32 s17, $0xE  }
0x37: {  	[sflag:s6] =	ssyncadd.s32 $0xFFFFC000;
	s19 =	sor.u32 $0x40, s18  }
0x38: {  	s17 =	smul.u32 $0x10200, s17;
	v0 =	vld [tilespmem:s19+$0x30]  }
0x39: {  	v3 =	vld [tilespmem:s19+$0xFFFFFFD0]  }
0x3a: {  	s17 =	sshrl.u32 s17, $0x2;
	v4 =	vld [tilespmem:s19+$0xFFFFFFE0]  }
0x3b: {  	v5 =	vld [tilespmem:s19+$0xFFFFFFF0];
	s18 =	sor.u32 $0x8000, s17  }
0x3c: {  	s31 =	sand.u32 $0x1, s13;
	v1 =	vld [tilespmem:s19+$0x0];
	s20 =	sadd.s32 $0x0, s18  }
0x3d: {  	v2 =	vld [tilespmem:s19+$0x10];
	s17 =	smul.u32 $0x10200, s31;
	[tilespmem:s20+$0x3870 ss:$0x81] =	vst.msk $0xffff, v0  }
0x3e: {  	[tilespmem:s20+$0x810 ss:$0x81] =	vst.msk $0xffff, v3;
	v3 =	vld [tilespmem:s19+$0x20]  }
0x3f: {  	s17 =	sshrl.u32 s17, $0x2;
	v0 =	vld [tilespmem:s19+$0xFFFFFFC0];
	[tilespmem:s20+$0x1020 ss:$0x81] =	vst.msk $0xffff, v4;
	s19 =	sadd.s32 $0x80, s19  }
0x40: {  	s21 =	simm.s32 $0x4;
	s22 =	simm.s32 $0x8;
	s17 =	sor.u32 $0x8000, s17;
	[tilespmem:s20+$0x1830 ss:$0x81] =	vst.msk $0xffff, v5;
	v4 =	vld [tilespmem:s19+$0x30]  }
.LBB1_3:
0x41: {  	p1 =	sne.s32 s22, $0x1FC;
	v5 =	vld [tilespmem:s19+$0xFFFFFFD0];
	[tilespmem:s20+$0x2040 ss:$0x81] =	vst.msk $0xffff, v1  }
0x42: {  	v6 =	vld [tilespmem:s19+$0xFFFFFFE0];
	[tilespmem:s20+$0x2850 ss:$0x81] =	vst.msk $0xffff, v2  }
0x43: {  	s23 =	sshra.s32 s21, $0x2;
	s21 =	smov.u32 s22;
	v7 =	vld [tilespmem:s19+$0xFFFFFFF0];
	[tilespmem:s20+$0x3060 ss:$0x81] =	vst.msk $0xffff, v3  }
.Ltmp3:
0x44: {  	v1 =	vld [tilespmem:s19+$0x0];
	[tilespmem:s20+$0x0 ss:$0x81] =	vst.msk $0xffff, v0;
	s20 =	sadd.s32 s23, s18;
	(pc) =	sbr.rel @p1 .LBB1_3-.Ltmp3, $4  }
0x45: {  	v2 =	vld [tilespmem:s19+$0x10];
	[tilespmem:s20+$0x3870 ss:$0x81] =	vst.msk $0xffff, v4  }
0x46: {  	[tilespmem:s20+$0x810 ss:$0x81] =	vst.msk $0xffff, v5;
	v3 =	vld [tilespmem:s19+$0x20]  }
0x47: {  	v0 =	vld [tilespmem:s19+$0xFFFFFFC0];
	[tilespmem:s20+$0x1020 ss:$0x81] =	vst.msk $0xffff, v6;
	s19 =	sadd.s32 $0x80, s19  }
0x48: {  	s22 =	sadd.s32 $0x4, s22;
	v4 =	vld [tilespmem:s19+$0x30];
	[tilespmem:s20+$0x1830 ss:$0x81] =	vst.msk $0xffff, v7  }
.Ltmp4:
0x49: {  	_ = 	snop;
	(pc) =	sbr.rel .LBB1_4-.Ltmp4, $1  }
0x4a: {  	_ =	sdelay $0x3  }
.LBB1_6:
0x4b: {  	_ =	sfence.sel $0x180000  }
0x4c: {  	s2 =	simm.s32 $0x1;
	[bflag:$0x0] =	sbarrier.arrive $0xFFFF  }
0x4d: {  	s31 =	simm.s32 $0x2;
	[sflag:s2] =	ssyncpa.u1 $0x1  }
0x4e: {  	[sflag:s31] =	ssyncpa.u1 $0x1  }
0x4f: {  	p0 =	sne.s32 s0, $0x0;
	_ =	strace $0x90000047  }
0x50: {  	s0 =	sadd.s32 @!p0 $0x100000, s1;
	[bflag:$0x2] =	sbarrier.arrive $0xFFFF  }
0x51: {  	[sflag:s0] =	ssyncadd.tile.s32 @!p0 $0x1;
	_ =	shalt  }
.Lfunc_end1:
_tile_overlayer_lowered:
.L_overlay_start_2:
0x52: {  	(tag) =	ssettag $0x2  }
0x53: {  	s0 =	rddreg [dreg:$0x0];
	s2 =	stileid.u32  }
0x54: {  	s1 =	rddreg [dreg:$0x1];
	p0 =	sne.s32 s2, $0x0  }
0x55: {  	s3 =	rddreg [dreg:$0x2];
	[bflag:$0x3] =	sbarrier.arrive $0xFFFF;
	s2 =	simm.s32 @!p0 $0x1C01  }
0x56: {  	[timem:s3], [sflag:s2] =	dma.local @!p0 [hbm:s0], s1  }
0x57: {  	s0 =	simm.s32 @!p0 $0x1  }
0x58: {  	_ =	swait.ge @!p0 [sflag:s0], s1  }
0x59: {  	s1 =	ssub.s32 @!p0 $0x0, s1;
	[sflag:s0] =	ssyncset.done @!p0 $0x0  }
0x5a: {  	[sflag:s0] =	ssyncadd.s32 @!p0 s1  }
0x5b: {  	[bflag:$0x3] =	sbarrier.arrive $0xFFFF  }
0x5c: {  	_ =	shalt  }

</sc_bundles>
